<compile_context>
chip_gen: v7x
topology: tpu7x:2x2x1
jax: 0.10.2.dev20260603
libtpu: 0.0.44.dev20260713+nightly
codegen_flags: <defaults>
</compile_context>

<pallas_src>
import functools

import jax
import jax.numpy as jnp
from jax import lax
from jax.experimental import pallas as pl
from jax.experimental.pallas import tpu as pltpu
from jax.experimental.pallas import tpu_sc as plsc

_L = 16
_T = 1001
_T_PAD = 1024
_N_CHUNKS = _T_PAD // _L
_B = 16384
_NW = 16
_B_PER_W = _B // _NW
_G_CHUNKS = _B_PER_W // _L
_BUILD_UNROLL = 4
_GATHER_UNROLL = 4

_mesh = plsc.VectorSubcoreMesh(core_axis_name="c", subcore_axis_name="s", num_cores=1)


@functools.partial(
    pl.kernel,
    mesh=_mesh,
    out_type=jax.ShapeDtypeStruct((_B,), jnp.float32),
    compiler_params=pltpu.CompilerParams(needs_layout_passes=False),
    scratch_types=[
        pltpu.VMEM((_T_PAD,), jnp.float32),
        pltpu.VMEM((2 * _L,), jnp.float32),
        pltpu.VMEM((_B_PER_W,), jnp.int32),
        pltpu.VMEM((_B_PER_W,), jnp.float32),
        pltpu.SemaphoreType.DMA,
        pltpu.SemaphoreType.DMA,
        pltpu.SemaphoreType.DMA,
    ],
)
def _snr_lookup(ts_hbm, w_hbm, wini_hbm, md_hbm, bini_hbm, base_hbm, out_hbm,
                tab_v, scal_v, idx_v, out_v, sem0, sem1, sem2):
    wid = lax.axis_index("s")
    off = wid * _B_PER_W
    cw = pltpu.async_copy(w_hbm, tab_v.at[pl.ds(0, _T)], sem0)
    c0 = pltpu.async_copy(wini_hbm, scal_v.at[pl.ds(0, 1)], sem1)
    c1 = pltpu.async_copy(md_hbm, scal_v.at[pl.ds(8, 1)], sem1)
    c2 = pltpu.async_copy(bini_hbm, scal_v.at[pl.ds(16, 1)], sem1)
    c3 = pltpu.async_copy(base_hbm, scal_v.at[pl.ds(24, 1)], sem1)
    ci = pltpu.async_copy(ts_hbm.at[pl.ds(off, _B_PER_W)], idx_v, sem2)

    c0.wait()
    c1.wait()
    c2.wait()
    c3.wait()
    sv0 = scal_v[pl.ds(0, _L)]
    sv1 = scal_v[pl.ds(_L, _L)]
    wini = lax.broadcast(sv0[0], (_L,))
    md = lax.broadcast(sv0[8], (_L,))
    carry0 = lax.broadcast(-(sv1[0] + sv1[8]), (_L,))
    cw.wait()

    @plsc.parallel_loop(0, _N_CHUNKS, 1, unroll=_BUILD_UNROLL, carry=carry0)
    def _build(i, carry):
        x = tab_v[pl.ds(i * _L, _L)] + wini
        s = 1.0 / (1.0 + jnp.exp(-x)) + md
        tab_v[pl.ds(i * _L, _L)] = plsc.cumsum(s) + carry
        return carry + lax.broadcast(jnp.sum(s), (_L,))

    ci.wait()

    @plsc.parallel_loop(0, _G_CHUNKS, 1, unroll=_GATHER_UNROLL)
    def _gather(j):
        ids = idx_v[pl.ds(j * _L, _L)]
        out_v[pl.ds(j * _L, _L)] = plsc.load_gather(tab_v, [ids])

    pltpu.sync_copy(out_v, out_hbm.at[pl.ds(off, _B_PER_W)])


def kernel(timesteps, W, base, w_ini, base_ini, min_diff):
    as1 = lambda x: jnp.asarray(x, jnp.float32).reshape(1)
    return _snr_lookup(timesteps, W, as1(w_ini), as1(min_diff),
                       as1(base_ini), as1(base[0]))

# --- scband reference (transcript-rebuilt; emitter-appended) ---
"""Pipeline reference for scband-snrmodel-cumulative-12532714570605 (READ-ONLY COPY).

The authoritative reference and input builder live on the scoring server;
editing this copy changes nothing except your own understanding.
"""

import jax, jax.numpy as jnp
import numpy as np

NUM_TIMESTEPS = 1000


def _grid_search_init(T):
    # Replicates SNRModelCumulative.init_weights grid search with W=0, base=0.
    # During the search, forward(t) = cumsum(sigmoid(0 + w) + w/1000)[t] - b
    #                              = (t + 1) * (sigmoid(w) + w/1000) - b
    ws = np.linspace(-10.0, 10.0, 100)
    bs = np.linspace(0.0, 10.0, 100)
    Wg, Bg = np.meshgrid(ws, bs, indexing='ij')
    sig = 1.0 / (1.0 + np.exp(-Wg))
    step = sig + Wg / 1000.0

    def acp(t):
        cs = (t + 1) * step - Bg
        return 1.0 / (1.0 + np.exp(cs))  # sigmoid(-forward(t))

    half = T // 2
    loss = (np.abs(acp(half) - 0.5)
            + np.abs(acp(0) - 1.0)
            + np.abs(acp(T) - 0.0)
            + np.abs((acp(half + 1) - acp(half - 1)) / 2.0))
    i, j = np.unravel_index(np.argmin(loss), loss.shape)
    return float(ws[i]), float(bs[j])


def setup_inputs(seed: int = 0) -> dict:
    key = jax.random.key(seed)
    T = NUM_TIMESTEPS
    w_ini, base_ini = _grid_search_init(T)
    # NOTE: in the torch code, self.min_diff keeps the LAST loop value (w=10.0)/1000
    min_diff = 10.0 / 1000.0
    timesteps = jax.random.randint(key, (16384,), 0, T + 1)
    W = jnp.zeros((T + 1,), dtype=jnp.float32)      # learnable parameter
    base = jnp.zeros((1,), dtype=jnp.float32)        # learnable parameter
    return {"timesteps": timesteps, "W": W, "base": base,
            "w_ini": w_ini, "base_ini": base_ini, "min_diff": min_diff}


def reference(timesteps, W, base, w_ini, base_ini, min_diff):
    # SNR(t) negative-log cumulative schedule:
    # forward(t) = cumsum(sigmoid(W + w_ini) + min_diff)[t] - (base_ini + base)
    Wc = jnp.cumsum(jax.nn.sigmoid(W + w_ini) + min_diff)
    Wc = Wc - (base_ini + base)
    return jnp.take(Wc, timesteps)

if __name__ == "__main__":
    import jax
    _d = setup_inputs()
    print(jax.jit(kernel)(*tuple(_d.values())))

</pallas_src>

<mosaic_0001>
#map = affine_map<(d0, d1) -> (0)>
module attributes {stable_mosaic.version = 14 : i64} {
  func.func @_snr_lookup(%arg0: i32, %arg1: i32, %arg2: memref<16384xi32, #tpu.memory_space<hbm>>, %arg3: memref<1001xf32, #tpu.memory_space<hbm>>, %arg4: memref<1xf32, #tpu.memory_space<hbm>>, %arg5: memref<1xf32, #tpu.memory_space<hbm>>, %arg6: memref<1xf32, #tpu.memory_space<hbm>>, %arg7: memref<1xf32, #tpu.memory_space<hbm>>, %arg8: memref<16384xf32, #tpu.memory_space<hbm>>, %arg9: memref<1024xf32, #tpu.memory_space<vmem>>, %arg10: memref<32xf32, #tpu.memory_space<vmem>>, %arg11: memref<1024xi32, #tpu.memory_space<vmem>>, %arg12: memref<1024xf32, #tpu.memory_space<vmem>>, %arg13: memref<!tpu.dma_semaphore, #tpu.memory_space<semaphore_mem>>, %arg14: memref<!tpu.dma_semaphore, #tpu.memory_space<semaphore_mem>>, %arg15: memref<!tpu.dma_semaphore, #tpu.memory_space<semaphore_mem>>) attributes {dimension_semantics = [#tpu.dimension_semantics<core_parallel>, #tpu.dimension_semantics<subcore_parallel>], iteration_bounds = array<i64: 1, 16>, scalar_prefetch = 0 : i64, scratch_operands = 7 : i64, tpu.core_type = #tpu.core_type<sc_vector_subcore>, window_params = [{transform_indices = #map}, {transform_indices = #map}, {transform_indices = #map}, {transform_indices = #map}, {transform_indices = #map}, {transform_indices = #map}, {transform_indices = #map}]} {
    %mul3A = arith.constant 1024 : i32
    %mul3A_0 = arith.muli %arg1, %mul3A : i32
    %dma_start3A = arith.constant 0 : i32
    %dma_start3A_1 = tpu.memref_slice %arg9[%dma_start3A] : memref<1024xf32, #tpu.memory_space<vmem>> -> memref<1001xf32, #tpu.memory_space<vmem>>
    %dma_start3A_2 = arith.constant 0 : i32
    %dma_start3A_3 = tpu.memref_slice %arg9[%dma_start3A_2] : memref<1024xf32, #tpu.memory_space<vmem>> -> memref<1001xf32, #tpu.memory_space<vmem>>
    tpu.enqueue_dma source(%arg3 : memref<1001xf32, #tpu.memory_space<hbm>>) target(%dma_start3A_3 : memref<1001xf32, #tpu.memory_space<vmem>>) target_semaphore(%arg13 : memref<!tpu.dma_semaphore, #tpu.memory_space<semaphore_mem>>)
    %dma_start3A_4 = arith.constant 0 : i32
    %dma_start3A_5 = tpu.memref_slice %arg10[%dma_start3A_4] : memref<32xf32, #tpu.memory_space<vmem>> -> memref<1xf32, #tpu.memory_space<vmem>>
    %dma_start3A_6 = arith.constant 0 : i32
    %dma_start3A_7 = tpu.memref_slice %arg10[%dma_start3A_6] : memref<32xf32, #tpu.memory_space<vmem>> -> memref<1xf32, #tpu.memory_space<vmem>>
    tpu.enqueue_dma source(%arg4 : memref<1xf32, #tpu.memory_space<hbm>>) target(%dma_start3A_7 : memref<1xf32, #tpu.memory_space<vmem>>) target_semaphore(%arg14 : memref<!tpu.dma_semaphore, #tpu.memory_space<semaphore_mem>>)
    %dma_start3A_8 = arith.constant 8 : i32
    %dma_start3A_9 = tpu.memref_slice %arg10[%dma_start3A_8] : memref<32xf32, #tpu.memory_space<vmem>> -> memref<1xf32, #tpu.memory_space<vmem>>
    %dma_start3A_10 = arith.constant 8 : i32
    %dma_start3A_11 = tpu.memref_slice %arg10[%dma_start3A_10] : memref<32xf32, #tpu.memory_space<vmem>> -> memref<1xf32, #tpu.memory_space<vmem>>
    tpu.enqueue_dma source(%arg5 : memref<1xf32, #tpu.memory_space<hbm>>) target(%dma_start3A_11 : memref<1xf32, #tpu.memory_space<vmem>>) target_semaphore(%arg14 : memref<!tpu.dma_semaphore, #tpu.memory_space<semaphore_mem>>)
    %dma_start3A_12 = arith.constant 16 : i32
    %dma_start3A_13 = tpu.memref_slice %arg10[%dma_start3A_12] : memref<32xf32, #tpu.memory_space<vmem>> -> memref<1xf32, #tpu.memory_space<vmem>>
    %dma_start3A_14 = arith.constant 16 : i32
    %dma_start3A_15 = tpu.memref_slice %arg10[%dma_start3A_14] : memref<32xf32, #tpu.memory_space<vmem>> -> memref<1xf32, #tpu.memory_space<vmem>>
    tpu.enqueue_dma source(%arg6 : memref<1xf32, #tpu.memory_space<hbm>>) target(%dma_start3A_15 : memref<1xf32, #tpu.memory_space<vmem>>) target_semaphore(%arg14 : memref<!tpu.dma_semaphore, #tpu.memory_space<semaphore_mem>>)
    %dma_start3A_16 = arith.constant 24 : i32
    %dma_start3A_17 = tpu.memref_slice %arg10[%dma_start3A_16] : memref<32xf32, #tpu.memory_space<vmem>> -> memref<1xf32, #tpu.memory_space<vmem>>
    %dma_start3A_18 = arith.constant 24 : i32
    %dma_start3A_19 = tpu.memref_slice %arg10[%dma_start3A_18] : memref<32xf32, #tpu.memory_space<vmem>> -> memref<1xf32, #tpu.memory_space<vmem>>
    tpu.enqueue_dma source(%arg7 : memref<1xf32, #tpu.memory_space<hbm>>) target(%dma_start3A_19 : memref<1xf32, #tpu.memory_space<vmem>>) target_semaphore(%arg14 : memref<!tpu.dma_semaphore, #tpu.memory_space<semaphore_mem>>)
    %dma_start3A_20 = tpu.memref_slice %arg2[%mul3A_0] : memref<16384xi32, #tpu.memory_space<hbm>> -> memref<1024xi32, #tpu.memory_space<hbm>>
    %dma_start3A_21 = tpu.memref_slice %arg2[%mul3A_0] : memref<16384xi32, #tpu.memory_space<hbm>> -> memref<1024xi32, #tpu.memory_space<hbm>>
    tpu.enqueue_dma source(%dma_start3A_21 : memref<1024xi32, #tpu.memory_space<hbm>>) target(%arg11 : memref<1024xi32, #tpu.memory_space<vmem>>) target_semaphore(%arg15 : memref<!tpu.dma_semaphore, #tpu.memory_space<semaphore_mem>>)
    %dma_wait3A = arith.constant 0 : i32
    %dma_wait3A_22 = tpu.memref_slice %arg10[%dma_wait3A] : memref<32xf32, #tpu.memory_space<vmem>> -> memref<1xf32, #tpu.memory_space<vmem>>
    %dma_wait3A_23 = arith.constant 0 : i32
    %dma_wait3A_24 = tpu.memref_slice %arg10[%dma_wait3A_23] : memref<32xf32, #tpu.memory_space<vmem>> -> memref<1xf32, #tpu.memory_space<vmem>>
    tpu.wait_dma2 semaphore(%arg14 : memref<!tpu.dma_semaphore, #tpu.memory_space<semaphore_mem>>) src(%arg4 : memref<1xf32, #tpu.memory_space<hbm>>) dst(%dma_wait3A_24 : memref<1xf32, #tpu.memory_space<vmem>>)
    %dma_wait3A_25 = arith.constant 8 : i32
    %dma_wait3A_26 = tpu.memref_slice %arg10[%dma_wait3A_25] : memref<32xf32, #tpu.memory_space<vmem>> -> memref<1xf32, #tpu.memory_space<vmem>>
    %dma_wait3A_27 = arith.constant 8 : i32
    %dma_wait3A_28 = tpu.memref_slice %arg10[%dma_wait3A_27] : memref<32xf32, #tpu.memory_space<vmem>> -> memref<1xf32, #tpu.memory_space<vmem>>
    tpu.wait_dma2 semaphore(%arg14 : memref<!tpu.dma_semaphore, #tpu.memory_space<semaphore_mem>>) src(%arg5 : memref<1xf32, #tpu.memory_space<hbm>>) dst(%dma_wait3A_28 : memref<1xf32, #tpu.memory_space<vmem>>)
    %dma_wait3A_29 = arith.constant 16 : i32
    %dma_wait3A_30 = tpu.memref_slice %arg10[%dma_wait3A_29] : memref<32xf32, #tpu.memory_space<vmem>> -> memref<1xf32, #tpu.memory_space<vmem>>
    %dma_wait3A_31 = arith.constant 16 : i32
    %dma_wait3A_32 = tpu.memref_slice %arg10[%dma_wait3A_31] : memref<32xf32, #tpu.memory_space<vmem>> -> memref<1xf32, #tpu.memory_space<vmem>>
    tpu.wait_dma2 semaphore(%arg14 : memref<!tpu.dma_semaphore, #tpu.memory_space<semaphore_mem>>) src(%arg6 : memref<1xf32, #tpu.memory_space<hbm>>) dst(%dma_wait3A_32 : memref<1xf32, #tpu.memory_space<vmem>>)
    %dma_wait3A_33 = arith.constant 24 : i32
    %dma_wait3A_34 = tpu.memref_slice %arg10[%dma_wait3A_33] : memref<32xf32, #tpu.memory_space<vmem>> -> memref<1xf32, #tpu.memory_space<vmem>>
    %dma_wait3A_35 = arith.constant 24 : i32
    %dma_wait3A_36 = tpu.memref_slice %arg10[%dma_wait3A_35] : memref<32xf32, #tpu.memory_space<vmem>> -> memref<1xf32, #tpu.memory_space<vmem>>
    tpu.wait_dma2 semaphore(%arg14 : memref<!tpu.dma_semaphore, #tpu.memory_space<semaphore_mem>>) src(%arg7 : memref<1xf32, #tpu.memory_space<hbm>>) dst(%dma_wait3A_36 : memref<1xf32, #tpu.memory_space<vmem>>)
    %get3A = arith.constant 0 : index
    %get3A_37 = tpu.vector_load %arg10[%get3A] {strides = array<i32>} : memref<32xf32, #tpu.memory_space<vmem>>, vector<16xf32>,
    %get3A_38 = arith.constant 16 : index
    %get3A_39 = tpu.vector_load %arg10[%get3A_38] {strides = array<i32>} : memref<32xf32, #tpu.memory_space<vmem>>, vector<16xf32>,
    %slice3A = vector.extract_strided_slice %get3A_37 {offsets = [0], sizes = [1], strides = [1]} : vector<16xf32> to vector<1xf32>
    %squeeze3A = vector.extract %slice3A[0] : f32 from vector<1xf32>
    %broadcast_in_dim3A = vector.broadcast %squeeze3A : f32 to vector<16xf32>
    %slice3A_40 = vector.extract_strided_slice %get3A_37 {offsets = [8], sizes = [1], strides = [1]} : vector<16xf32> to vector<1xf32>
    %squeeze3A_41 = vector.extract %slice3A_40[0] : f32 from vector<1xf32>
    %broadcast_in_dim3A_42 = vector.broadcast %squeeze3A_41 : f32 to vector<16xf32>
    %slice3A_43 = vector.extract_strided_slice %get3A_39 {offsets = [0], sizes = [1], strides = [1]} : vector<16xf32> to vector<1xf32>
    %squeeze3A_44 = vector.extract %slice3A_43[0] : f32 from vector<1xf32>
    %slice3A_45 = vector.extract_strided_slice %get3A_39 {offsets = [8], sizes = [1], strides = [1]} : vector<16xf32> to vector<1xf32>
    %squeeze3A_46 = vector.extract %slice3A_45[0] : f32 from vector<1xf32>
    %add3A = arith.addf %squeeze3A_44, %squeeze3A_46 : f32
    %neg3A = arith.constant 0.000000e+00 : f32
    %neg3A_47 = arith.subf %neg3A, %add3A : f32
    %broadcast_in_dim3A_48 = vector.broadcast %neg3A_47 : f32 to vector<16xf32>
    %dma_wait3A_49 = arith.constant 0 : i32
    %dma_wait3A_50 = tpu.memref_slice %arg9[%dma_wait3A_49] : memref<1024xf32, #tpu.memory_space<vmem>> -> memref<1001xf32, #tpu.memory_space<vmem>>
    %dma_wait3A_51 = arith.constant 0 : i32
    %dma_wait3A_52 = tpu.memref_slice %arg9[%dma_wait3A_51] : memref<1024xf32, #tpu.memory_space<vmem>> -> memref<1001xf32, #tpu.memory_space<vmem>>
    tpu.wait_dma2 semaphore(%arg13 : memref<!tpu.dma_semaphore, #tpu.memory_space<semaphore_mem>>) src(%arg3 : memref<1001xf32, #tpu.memory_space<hbm>>) dst(%dma_wait3A_52 : memref<1001xf32, #tpu.memory_space<vmem>>)
    %parallel_loop3A = arith.constant 0 : i32
    %parallel_loop3A_53 = arith.constant 64 : i32
    %parallel_loop3A_54 = arith.constant 1 : i32
    %parallel_loop3A_55 = scf.for %parallel_loop3A_61 = %parallel_loop3A to %parallel_loop3A_53 step %parallel_loop3A_54 iter_args(%parallel_loop3A_62 = %broadcast_in_dim3A_48) -> (vector<16xf32>)  : i32 {
      %parallel_loop3A_63 = arith.constant 16 : i32
      %parallel_loop3A_64 = arith.muli %parallel_loop3A_61, %parallel_loop3A_63 : i32
      %parallel_loop3A_65 = arith.index_cast %parallel_loop3A_64 : i32 to index
      %parallel_loop3A_66 = tpu.vector_load %arg9[%parallel_loop3A_65] {strides = array<i32>} : memref<1024xf32, #tpu.memory_space<vmem>>, vector<16xf32>,
      %parallel_loop3A_67 = arith.addf %parallel_loop3A_66, %broadcast_in_dim3A : vector<16xf32>
      %parallel_loop3A_68 = arith.constant 0.000000e+00 : f32
      %parallel_loop3A_69 = vector.broadcast %parallel_loop3A_68 : f32 to vector<16xf32>
      %parallel_loop3A_70 = arith.subf %parallel_loop3A_69, %parallel_loop3A_67 : vector<16xf32>
      %parallel_loop3A_71 = math.exp %parallel_loop3A_70 : vector<16xf32>
      %parallel_loop3A_72 = arith.constant 1.000000e+00 : f32
      %parallel_loop3A_73 = vector.broadcast %parallel_loop3A_72 : f32 to vector<16xf32>
      %parallel_loop3A_74 = arith.addf %parallel_loop3A_73, %parallel_loop3A_71 : vector<16xf32>
      %parallel_loop3A_75 = arith.constant 1.000000e+00 : f32
      %parallel_loop3A_76 = vector.broadcast %parallel_loop3A_75 : f32 to vector<16xf32>
      %parallel_loop3A_77 = arith.divf %parallel_loop3A_76, %parallel_loop3A_74 : vector<16xf32>
      %parallel_loop3A_78 = arith.addf %parallel_loop3A_77, %broadcast_in_dim3A_42 : vector<16xf32>
      %parallel_loop3A_79 = arith.constant true
      %parallel_loop3A_80 = vector.broadcast %parallel_loop3A_79 : i1 to vector<16xi1>
      %parallel_loop3A_81 = tpu.scan <sum>, %parallel_loop3A_78 masked %parallel_loop3A_80 : vector<16xf32>, vector<16xi1> -> vector<16xf32>
      %parallel_loop3A_82 = arith.addf %parallel_loop3A_81, %parallel_loop3A_62 : vector<16xf32>
      %parallel_loop3A_83 = arith.constant 16 : i32
      %parallel_loop3A_84 = arith.muli %parallel_loop3A_61, %parallel_loop3A_83 : i32
      %parallel_loop3A_85 = arith.index_cast %parallel_loop3A_84 : i32 to index
      %parallel_loop3A_86 = tpu.vector_load %arg9[%parallel_loop3A_85] {strides = array<i32>} : memref<1024xf32, #tpu.memory_space<vmem>>, vector<16xf32>,
      tpu.vector_store %arg9[%parallel_loop3A_85], %parallel_loop3A_82 {strides = array<i32>} : memref<1024xf32, #tpu.memory_space<vmem>>, vector<16xf32>,
      %parallel_loop3A_87 = arith.constant true
      %parallel_loop3A_88 = vector.broadcast %parallel_loop3A_87 : i1 to vector<16xi1>
      %parallel_loop3A_89 = tpu.scan <sum>, %parallel_loop3A_78 masked %parallel_loop3A_88 : vector<16xf32>, vector<16xi1> -> vector<16xf32>
      %parallel_loop3A_90 = vector.extract %parallel_loop3A_89[15] : f32 from vector<16xf32>
      %parallel_loop3A_91 = vector.broadcast %parallel_loop3A_90 : f32 to vector<16xf32>
      %parallel_loop3A_92 = arith.addf %parallel_loop3A_62, %parallel_loop3A_91 : vector<16xf32>
      scf.yield %parallel_loop3A_92 : vector<16xf32>
    } {sc.loop_unroll_factor = 4 : i64, sc.parallel_access}
    %dma_wait3A_56 = tpu.memref_slice %arg2[%mul3A_0] : memref<16384xi32, #tpu.memory_space<hbm>> -> memref<1024xi32, #tpu.memory_space<hbm>>
    %dma_wait3A_57 = tpu.memref_slice %arg2[%mul3A_0] : memref<16384xi32, #tpu.memory_space<hbm>> -> memref<1024xi32, #tpu.memory_space<hbm>>
    tpu.wait_dma2 semaphore(%arg15 : memref<!tpu.dma_semaphore, #tpu.memory_space<semaphore_mem>>) src(%dma_wait3A_57 : memref<1024xi32, #tpu.memory_space<hbm>>) dst(%arg11 : memref<1024xi32, #tpu.memory_space<vmem>>)
    %parallel_loop3A_58 = arith.constant 0 : i32
    %parallel_loop3A_59 = arith.constant 64 : i32
    %parallel_loop3A_60 = arith.constant 1 : i32
    scf.for %parallel_loop3A_61 = %parallel_loop3A_58 to %parallel_loop3A_59 step %parallel_loop3A_60  : i32 {
      %parallel_loop3A_62 = arith.constant 16 : i32
      %parallel_loop3A_63 = arith.muli %parallel_loop3A_61, %parallel_loop3A_62 : i32
      %parallel_loop3A_64 = arith.index_cast %parallel_loop3A_63 : i32 to index
      %parallel_loop3A_65 = tpu.vector_load %arg11[%parallel_loop3A_64] {strides = array<i32>} : memref<1024xi32, #tpu.memory_space<vmem>>, vector<16xi32>,
      %parallel_loop3A_66 = tpu.vector_load_idx %arg9[%parallel_loop3A_65] : memref<1024xf32, #tpu.memory_space<vmem>>[vector<16xi32>], vector<16xf32>,
      %parallel_loop3A_67 = arith.constant 16 : i32
      %parallel_loop3A_68 = arith.muli %parallel_loop3A_61, %parallel_loop3A_67 : i32
      %parallel_loop3A_69 = arith.index_cast %parallel_loop3A_68 : i32 to index
      %parallel_loop3A_70 = tpu.vector_load %arg12[%parallel_loop3A_69] {strides = array<i32>} : memref<1024xf32, #tpu.memory_space<vmem>>, vector<16xf32>,
      tpu.vector_store %arg12[%parallel_loop3A_69], %parallel_loop3A_66 {strides = array<i32>} : memref<1024xf32, #tpu.memory_space<vmem>>, vector<16xf32>,
    } {sc.loop_unroll_factor = 4 : i64, sc.parallel_access}
    "tpu.region"() ({
      %run_scoped3A = tpu.sem_alloc : memref<!tpu.dma_semaphore, #tpu.memory_space<semaphore_mem>>
      %dma_start3A_61 = tpu.memref_slice %arg8[%mul3A_0] : memref<16384xf32, #tpu.memory_space<hbm>> -> memref<1024xf32, #tpu.memory_space<hbm>>
      %dma_start3A_62 = tpu.memref_slice %arg8[%mul3A_0] : memref<16384xf32, #tpu.memory_space<hbm>> -> memref<1024xf32, #tpu.memory_space<hbm>>
      tpu.enqueue_dma source(%arg12 : memref<1024xf32, #tpu.memory_space<vmem>>) target(%dma_start3A_62 : memref<1024xf32, #tpu.memory_space<hbm>>) target_semaphore(%run_scoped3A : memref<!tpu.dma_semaphore, #tpu.memory_space<semaphore_mem>>)
      %dma_wait3A_63 = tpu.memref_slice %arg8[%mul3A_0] : memref<16384xf32, #tpu.memory_space<hbm>> -> memref<1024xf32, #tpu.memory_space<hbm>>
      %dma_wait3A_64 = tpu.memref_slice %arg8[%mul3A_0] : memref<16384xf32, #tpu.memory_space<hbm>> -> memref<1024xf32, #tpu.memory_space<hbm>>
      tpu.wait_dma2 semaphore(%run_scoped3A : memref<!tpu.dma_semaphore, #tpu.memory_space<semaphore_mem>>) src(%arg12 : memref<1024xf32, #tpu.memory_space<vmem>>) dst(%dma_wait3A_64 : memref<1024xf32, #tpu.memory_space<hbm>>)
      tpu.yield
    }) : () -> ()
    return
  }
}

</mosaic_0001>

<sc_bundles>
// kernel: kernel.3.cloned.1.call-start
scs
__scs_entry_jumppad:
0x0: {  	(pc) =	sbr.rel $0x88, $3  }
0x1: {  	(tag) =	ssettag $0x0;
	lr =	simm.s32 $0x1  }
0x2: {  	[smem:$0x3F9B] =	sst lr;
	_ =	strace $0xD0000000  }
0x3: {  	_ = 	snop  }
0x4: {  	_ = 	snop  }
0x5: {  	_ = 	snop  }
0x6: {  	_ = 	snop  }
0x7: {  	_ = 	snop  }
__scs_overlays_trampoline_lowered:
0x8: {  	[smem:$0x3FAA] =	sst s0  }
0x9: {  	[smem:$0x3FAB] =	sst s1  }
0xa: {  	[smem:$0x3FAC] =	sst s2  }
0xb: {  	[smem:$0x3FAD] =	sst s3  }
0xc: {  	[smem:$0x3FAE] =	sst s4  }
0xd: {  	[smem:$0x3FAF] =	sst s5  }
0xe: {  	[smem:$0x3FB0] =	sst s6  }
0xf: {  	[smem:$0x3FB1] =	sst s7  }
0x10: {  	[smem:$0x3FB2] =	sst s8  }
0x11: {  	[smem:$0x3FB3] =	sst s9;
	s0 =	simm.s32 @!p0 $0x0  }
0x12: {  	s1 =	sld [smem:$0x3F99];
	s0 =	simm.s32 @p0 $0x1  }
0x13: {  	[smem:$0x3FB4] =	sst s0;
	s0 =	simm.s32 @!p1 $0x0  }
0x14: {  	s2 =	sld [smem:$0x3F98];
	s0 =	simm.s32 @p1 $0x1  }
0x15: {  	[smem:$0x3FB5] =	sst s0;
	s0 =	simm.s32 @!p2 $0x0  }
0x16: {  	s3 =	sld [smem:$0x3FDB];
	s0 =	simm.s32 @p2 $0x1  }
0x17: {  	s4 =	simm.s32 $0x1BF5;
	[smem:$0x3FB7] =	sst s0  }
0x18: {  	s0 =	sld [smem:$0x3F9A];
	_ =	swait.ge [sflag:s4], $0x0  }
0x19: {  	s7 =	sld [smem:$0x3F9B]  }
0x1a: {  	s8 =	sadd.s32 $0xFFFFE003, lr  }
0x1b: {  	s9 =	sadd.s32 $0xFFFFFEF7, lr;
	s5 =	simm.s32 $0xFFFFFFFF;
	p2 =	slt.u32 s8, $0xFFFFF086  }
0x1c: {  	p1 =	slt.u32 s9, $0xF7A;
	s5 =	simm.s32 @!p2 $0x0  }
0x1d: {  	s5 =	simm.s32 @p1 $0x1;
	p0 =	seq.s32 s7, s2  }
0x1e: {  	s7 =	smul.u32 @!p0 $0xF7A, s2;
	p2 =	seq.s32 @!p0 s5, $0x0  }
0x1f: {  	s9 =	smul.u32 $0xF7A, s1;
	s8 =	simm.s32 @!p0 $0x1BF5;
	p2 =	por !p2, p0  }
0x20: {  	[sflag:s8] =	ssyncset.s32 @!p0 $0xFFFFF086;
	s6 =	sadd.s32 @!p0 s3, s7;
	s7 =	simm.s32 @!p0 $0x108  }
0x21: {  	s3 =	sadd.s32 s3, s9;
	s6 =	sadd.s32 @!p0 $0x88, s6;
	s7 =	simm.s32 @p2 $0x1082  }
0x22: {  	[simem:s7], [sflag:s8] =	dma.local @!p0 [hbm:s6], $0xF7A  }
0x23: {  	s9 =	sor.u32 $0xD0000000, s2;
	s6 =	simm.s32 $0x108;
	_ =	swait.ge @!p0 [sflag:s8], $0x0  }
0x24: {  	s3 =	sadd.s32 $0x88, s3;
	s6 =	simm.s32 @!p1 $0x1082;
	[sflag:s4] =	ssyncset.s32 $0xFFFFF086  }
0x25: {  	[simem:s6], [sflag:s4] =	dma.local [hbm:s3], $0xF7A  }
0x26: {  	[smem:$0x3F9B] =	sst s1;
	(tag) =	ssettag s2;
	_ =	strace s9  }
0x27: {  	s1 =	sld [smem:$0x3FAB]  }
0x28: {  	s2 =	sld [smem:$0x3FAC]  }
0x29: {  	s4 =	sld [smem:$0x3FAE]  }
0x2a: {  	p0 =	seq.s32 s5, $0x0;
	s5 =	sld [smem:$0x3FAF]  }
0x2b: {  	s6 =	sld [smem:$0x3FB0]  }
0x2c: {  	s7 =	sld [smem:$0x3FB1]  }
0x2d: {  	s3 =	simm.s32 $0x108;
	s8 =	sld [smem:$0x3FB2]  }
0x2e: {  	s3 =	simm.s32 @!p0 $0x1082;
	s9 =	sld [smem:$0x3FB3]  }
0x2f: {  	lr =	sadd.s32 s0, s3;
	s0 =	sld [smem:$0x3FAA]  }
0x30: {  	s3 =	sld [smem:$0x3FAD]  }
0x31: {  	[smem:$0x3FB6] =	sst s10  }
0x32: {  	s10 =	sld [smem:$0x3FB4];
	_ =	sdelay $0x3  }
0x33: {  	p0 =	seq.s32 s10, $0x1;
	s10 =	sld [smem:$0x3FB6];
	_ =	sdelay $0x3  }
0x34: {  	[smem:$0x3FB6] =	sst s10  }
0x35: {  	s10 =	sld [smem:$0x3FB5];
	_ =	sdelay $0x3  }
0x36: {  	p1 =	seq.s32 s10, $0x1;
	s10 =	sld [smem:$0x3FB6];
	_ =	sdelay $0x3  }
0x37: {  	[smem:$0x3FB6] =	sst s10  }
0x38: {  	s10 =	sld [smem:$0x3FB7]  }
0x39: {  	_ = 	snop;
	(pc) =	sbr.ind lr, $3  }
0x3a: {  	_ = 	snop  }
0x3b: {  	_ = 	snop  }
0x3c: {  	p2 =	seq.s32 s10, $0x1;
	s10 =	sld [smem:$0x3FB6]  }
0x3d: {  	_ =	shalt  }
0x3e: {  	_ =	shalt  }
0x3f: {  	_ =	shalt  }
0x40: {  	_ =	shalt  }
0x41: {  	_ =	shalt  }
0x42: {  	_ =	shalt  }
0x43: {  	_ =	shalt  }
0x44: {  	_ =	shalt  }
0x45: {  	_ =	shalt  }
0x46: {  	_ =	shalt  }
0x47: {  	_ =	shalt  }
0x48: {  	_ =	shalt  }
0x49: {  	_ =	shalt  }
0x4a: {  	_ =	shalt  }
0x4b: {  	_ =	shalt  }
0x4c: {  	_ =	shalt  }
0x4d: {  	_ =	shalt  }
0x4e: {  	_ =	shalt  }
0x4f: {  	_ =	shalt  }
0x50: {  	_ =	shalt  }
0x51: {  	_ =	shalt  }
0x52: {  	_ =	shalt  }
0x53: {  	_ =	shalt  }
0x54: {  	_ =	shalt  }
0x55: {  	_ =	shalt  }
0x56: {  	_ =	shalt  }
0x57: {  	_ =	shalt  }
0x58: {  	_ =	shalt  }
0x59: {  	_ =	shalt  }
0x5a: {  	_ =	shalt  }
0x5b: {  	_ =	shalt  }
0x5c: {  	_ =	shalt  }
0x5d: {  	_ =	shalt  }
0x5e: {  	_ =	shalt  }
0x5f: {  	_ =	shalt  }
0x60: {  	_ =	shalt  }
0x61: {  	_ =	shalt  }
0x62: {  	_ =	shalt  }
0x63: {  	_ =	shalt  }
0x64: {  	_ =	shalt  }
0x65: {  	_ =	shalt  }
0x66: {  	_ =	shalt  }
0x67: {  	_ =	shalt  }
0x68: {  	_ =	shalt  }
0x69: {  	_ =	shalt  }
0x6a: {  	_ =	shalt  }
0x6b: {  	_ =	shalt  }
0x6c: {  	_ =	shalt  }
0x6d: {  	_ =	shalt  }
0x6e: {  	_ =	shalt  }
0x6f: {  	_ =	shalt  }
0x70: {  	_ =	shalt  }
0x71: {  	_ =	shalt  }
0x72: {  	_ =	shalt  }
0x73: {  	_ =	shalt  }
0x74: {  	_ =	shalt  }
0x75: {  	_ =	shalt  }
0x76: {  	_ =	shalt  }
0x77: {  	_ =	shalt  }
0x78: {  	_ =	shalt  }
0x79: {  	_ =	shalt  }
0x7a: {  	_ =	shalt  }
0x7b: {  	_ =	shalt  }
0x7c: {  	_ =	shalt  }
0x7d: {  	_ =	shalt  }
0x7e: {  	_ =	shalt  }
0x7f: {  	_ =	shalt  }
0x80: {  	_ =	shalt  }
0x81: {  	_ =	shalt  }
0x82: {  	_ =	shalt  }
0x83: {  	_ =	shalt  }
0x84: {  	_ =	shalt  }
0x85: {  	_ =	shalt  }
0x86: {  	_ =	shalt  }
0x87: {  	_ =	shalt  }
.Lfunc_end0:
.L_simem_size_0:
called_computation_lowered:
.L_overlay_start_0:
0x88: {  	s0 =	sld [smem:$0x3FD9]  }
0x89: {  	s1 =	sld [smem:$0x3FFE];
	_ =	sdelay $0x3  }
0x8a: {  	s0 =	sadd.s32 s1, s0  }
0x8b: {  	[smem:$0x3FC2] =	sst s0  }
0x8c: {  	_ = 	snop  }
0x8d: {  	s0 =	sld [smem:$0x3FC9]  }
0x8e: {  	s17 =	sld [smem:$0x3FC8]  }
0x8f: {  	s2 =	sld [smem:$0x3FC7]  }
0x90: {  	s3 =	sld [smem:$0x3FC6]  }
0x91: {  	s4 =	sld [smem:$0x3FC5]  }
0x92: {  	s5 =	sld [smem:$0x3FC4]  }
0x93: {  	s6 =	sld [smem:$0x3FD0];
	(tm) =	ssettm $0x1  }
0x94: {  	s7 =	sld [smem:$0x3FFB];
	_ =	sdelay $0x3  }
0x95: {  	_ =	strace s7  }
0x96: {  	s7 =	sld [smem:$0x3FFC];
	_ =	sdelay $0x3  }
0x97: {  	_ =	strace s7  }
0x98: {  	s7 =	sld [smem:$0x3FFD];
	_ =	sdelay $0x3  }
0x99: {  	_ =	strace s7  }
0x9a: {  	_ =	strace $0x8FFFFFFF  }
0x9b: {  	s18 =	sld [smem:$0x3FDB];
	_ =	sdelay $0x1  }
0x9c: {  	s8 =	simm.s32 $_scs_section_size  }
0x9d: {  	s9 =	simm.s32 $_size__tile_overlayer_lowered;
	s10 =	simm.s32 $_tile_overlayer_lowered  }
0x9e: {  	s21 =	simm.s32 $0x1BFF;
	s20 =	sshll.u32 s10, $0x1;
	s7 =	sadd.s32 s8, s18  }
0x9f: {  	s11 =	simm.s32 $0x0;
	s19 =	sshll.u32 s9, $0x1;
	s9 =	sadd.s32 s20, s7  }
0xa0: {  	[timem:s11], [sflag:s21] =	dma.local [hbm:s9], s19  }
0xa1: {  	_ =	swait.ge [sflag:s21], s19  }
0xa2: {  	s8 =	ssub.s32 $0x0, s19;
	[sflag:s21] =	ssyncset.done $0x0  }
0xa3: {  	[sflag:s21] =	ssyncadd.s32 s8;
	_ =	sdelay $0x1  }
0xa4: {  	s22 =	simm.s32 $0x1B8B  }
0xa5: {  	_ =	swait.ge [sflag:s22], $0x1  }
0xa6: {  	[sflag:s22] =	ssyncset.done $0x0  }
0xa7: {  	s23 =	simm.s32 $0x1B8E;
	[sflag:s22] =	ssyncadd.s32 $0xFFFFFFFF  }
0xa8: {  	s24 =	simm.s32 $execute0_lowered;
	[smem:$0x3FD2] =	sst s23  }
0xa9: {  	s8 =	sshll.u32 s24, $0x1;
	_ =	strace $0x80000046;
	[dreg:$0x1] =	wrdreg $0xFFFFFFFF  }
0xaa: {  	s25 =	simm.s32 $_size_execute0_lowered;
	s7 =	sadd.s32 s7, s8;
	[dreg:$0x0] =	wrdreg $0x0  }
0xab: {  	s8 =	sshll.u32 s25, $0x1;
	[dreg:$0x2] =	wrdreg s7  }
0xac: {  	[dreg:$0x3] =	wrdreg s8  }
0xad: {  	[dreg:$0x4] =	wrdreg $0xC0  }
0xae: {  	_ =	task [dreg:s11], $0x5FFFF  }
0xaf: {  	[dreg:$0x1] =	wrdreg $0xFFFFFFFF  }
0xb0: {  	[dreg:$0x0] =	wrdreg $0x60  }
0xb1: {  	[dreg:$0x2] =	wrdreg s0  }
0xb2: {  	[dreg:$0x3] =	wrdreg s17  }
0xb3: {  	[dreg:$0x4] =	wrdreg s3  }
0xb4: {  	[dreg:$0x5] =	wrdreg s5  }
0xb5: {  	[dreg:$0x6] =	wrdreg s4  }
0xb6: {  	[dreg:$0x7] =	wrdreg s2  }
0xb7: {  	[dreg:$0x8] =	wrdreg s6  }
0xb8: {  	[dreg:$0x9] =	wrdreg $0x9  }
0xb9: {  	_ =	task.clear_ibuf [dreg:s11], $0xAFFFF;
	_ =	strace $0x90000046  }
0xba: {  	s26 =	simm.s32 $0x9;
	_ =	strace $0x80000048  }
0xbb: {  	_ =	swait.ge [sflag:s26], $0x1  }
0xbc: {  	[sflag:s26] =	ssyncadd.s32 $0xFFFFFFFF  }
0xbd: {  	_ =	strace $0x90000048  }
0xbe: {  	_ =	sfence  }
0xbf: {  	s28 =	sld [smem:$0x0];
	_ =	sdelay $0x1  }
0xc0: {  	s29 =	srdreg.scid  }
0xc1: {  	s30 =	sshll.u32 s29, $0xD;
	s31 =	sshrl.u32 s29, $0x2  }
0xc2: {  	s1 =	sand.u32 $0x1, s29;
	s2 =	sand.u32 $0x4000, s30;
	s0 =	sadd.s32 s31, s28  }
0xc3: {  	s1 =	sor.u32 s2, s1;
	s0 =	sshll.u32 s0, $0x11  }
0xc4: {  	s0 =	sor.u32 s0, s1  }
0xc5: {  	s0 =	sadd.s32 $0x8F2B, s0  }
0xc6: {  	[sflag:s0] =	ssyncadd.remote.s32 $0x1  }
0xc7: {  	_ =	sfence.sel $0xFFFF  }
0xc8: {  	[dreg:$0x0] =	wrdreg $0xFFFFFFFF;
	(pc) =	sbr.abs _section_cstart, $3  }
0xc9: {  	[dreg:$0x1] =	wrdreg $0xFFFFFFFF  }
0xca: {  	_ =	task.clear_ibuf [dreg:s11], $0x2FFFF;
	_ =	strace $0x9FFFFFFF  }
0xcb: {  	(tm) =	ssettm $0x7FFFFFFF  }
tec
execute0_lowered:
.L_overlay_start_1:
0x0: {  	(tag) =	ssettag $0x1  }
0x1: {  	s4 =	rddreg [dreg:$0x0]  }
0x2: {  	s1 =	rddreg [dreg:$0x1]  }
0x3: {  	s3 =	rddreg [dreg:$0x2]  }
0x4: {  	s5 =	rddreg [dreg:$0x3]  }
0x5: {  	s6 =	rddreg [dreg:$0x4]  }
0x6: {  	s7 =	rddreg [dreg:$0x5]  }
0x7: {  	s2 =	rddreg [dreg:$0x6];
	s8 =	simm.s32 $0x0  }
0x8: {  	[smem:$0x7FF] =	sst s8  }
0x9: {  	s0 =	rddreg [dreg:$0x7];
	_ =	strace $0x80000047  }
0xa: {  	[tilespmem:s8], [sflag:$0x1] =	stream.linear.gather [hbm4b:s1+s8], $0x3E9, $0x38;
	[tilespmem:$0xC80] =	vst v63  }
0xb: {  	s23 =	simm.s32 $0x400  }
0xc: {  	[tilespmem:s23], [sflag:$0x2] =	stream.linear.gather [hbm4b:s3+s8], $0x1, $0x38;
	[tilespmem:$0xC80] =	vst v63  }
0xd: {  	s24 =	simm.s32 $0x408  }
0xe: {  	[tilespmem:s24], [sflag:$0x2] =	stream.linear.gather [hbm4b:s5+s8], $0x1, $0x38;
	[tilespmem:$0xC80] =	vst v63  }
0xf: {  	s25 =	simm.s32 $0x410;
	s1 =	stileid.u32  }
0x10: {  	[tilespmem:s25], [sflag:$0x2] =	stream.linear.gather [hbm4b:s6+s8], $0x1, $0x38;
	[tilespmem:$0xC80] =	vst v63  }
0x11: {  	s26 =	simm.s32 $0x418;
	s3 =	sshll.u32 s1, $0x7  }
0x12: {  	[tilespmem:s26], [sflag:$0x2] =	stream.linear.gather [hbm4b:s7+s8], $0x1, $0x38;
	[tilespmem:$0xC80] =	vst v63  }
0x13: {  	s28 =	simm.s32 $0x480;
	s29 =	simm.s32 $0x2;
	s4 =	sadd.s32 s4, s3  }
0x14: {  	[tilespmem:s28], [sflag:$0x3] =	stream.linear.gather [hbm4b:s4+s8], $0x400, $0x38;
	[tilespmem:$0xC80] =	vst v63  }
0x15: {  	_ =	swait.ge [sflag:s29], $0x1  }
0x16: {  	[sflag:s29] =	ssyncset.done $0x0  }
0x17: {  	[sflag:s29] =	ssyncadd.s32 $0xFFFFFFFF  }
0x18: {  	_ =	swait.ge [sflag:s29], $0x1  }
0x19: {  	[sflag:s29] =	ssyncset.done $0x0  }
0x1a: {  	[sflag:s29] =	ssyncadd.s32 $0xFFFFFFFF  }
0x1b: {  	_ =	swait.ge [sflag:s29], $0x1  }
0x1c: {  	[sflag:s29] =	ssyncset.done $0x0  }
0x1d: {  	[sflag:s29] =	ssyncadd.s32 $0xFFFFFFFF  }
0x1e: {  	_ =	swait.ge [sflag:s29], $0x1  }
0x1f: {  	[sflag:s29] =	ssyncset.done $0x0  }
0x20: {  	[sflag:s29] =	ssyncadd.s32 $0xFFFFFFFF  }
0x21: {  	v0 =	vld [tilespmem:$0x410];
	_ =	sdelay $0x4  }
0x22: {  	(v2sf) =	vpush v0, $0x0  }
0x23: {  	(v2sf) =	vpush v0, $0x8;
	_ =	sdelay $0xd  }
0x24: {  	s30 =	spop (v2sf)  }
0x25: {  	s31 =	simm.s32 $0x1;
	s9 =	spop (v2sf)  }
0x26: {  	v0 =	vld [tilespmem:$0x400];
	_ =	swait.ge [sflag:s31], $0x3E9  }
0x27: {  	[sflag:s31] =	ssyncset.done $0x0  }
0x28: {  	s4 =	simm.s32 $0x20;
	[sflag:s31] =	ssyncadd.s32 $0xFFFFFC17  }
0x29: {  	v2 =	vld [tilespmem:s4+$0x10];
	_ =	sdelay $0x2  }
0x2a: {  	v1 =	vbroadcast v0, $0x0  }
0x2b: {  	v3 =	vld [tilespmem:s4+$0xFFFFFFF0]  }
0x2c: {  	v2 =	vadd.f32 v2, v1;
	_ =	sdelay $0x1  }
0x2d: {  	v4 =	vld [tilespmem:s4+$0xFFFFFFE0];
	v2 =	vsub.f32 $0.0e+00, v2;
	_ =	sdelay $0x1  }
0x2e: {  	v3 =	vadd.f32 v3, v1;
	v2 =	vmul.f32 $1.442695020e+00, v2;
	_ =	sdelay $0x1  }
0x2f: {  	v5 =	vld [tilespmem:s4+$0x0];
	v3 =	vsub.f32 $0.0e+00, v3;
	(erf) = vpow2.f32 v2  }
0x30: {  	s5 =	simm.s32 $0x60;
	v2 =	vadd.f32 v4, v1  }
0x31: {  	v3 =	vmul.f32 $1.442695020e+00, v3;
	v4 =	vld [tilespmem:s5+$0x10]  }
0x32: {  	v2 =	vsub.f32 $0.0e+00, v2  }
0x33: {  	(erf) = vpow2.f32 v3  }
0x34: {  	v3 =	vadd.f32 v5, v1;
	v5 =	vld [tilespmem:s5+$0xFFFFFFF0];
	v2 =	vmul.f32 $1.442695020e+00, v2;
	_ =	sdelay $0x1  }
0x35: {  	(erf) = vpow2.f32 v2;
	v2 =	vsub.f32 $0.0e+00, v3;
	v3 =	vadd.f32 v4, v1;
	_ =	sdelay $0x1  }
0x36: {  	v6 =	vld [tilespmem:s5+$0xFFFFFFE0];
	v2 =	vmul.f32 $1.442695020e+00, v2;
	v3 =	vsub.f32 $0.0e+00, v3;
	v4 =	vpop (erf)  }
0x37: {  	v5 =	vadd.f32 v5, v1;
	v4 =	vadd.f32 $1.000000000e+00, v4  }
0x38: {  	(erf) = vpow2.f32 v2  }
0x39: {  	v2 =	vmul.f32 $1.442695020e+00, v3;
	(erf) = vrcp.f32 v4;
	v4 =	vsub.f32 $0.0e+00, v5;
	v5 =	vld [tilespmem:s5+$0x0]  }
0x3a: {  	v3 =	vpop (erf)  }
0x3b: {  	v3 =	vadd.f32 $1.000000000e+00, v3;
	(erf) = vpow2.f32 v2;
	v2 =	vadd.f32 v6, v1  }
0x3c: {  	v4 =	vmul.f32 $1.442695020e+00, v4  }
0x3d: {  	s6 =	simm.s32 $0xA0;
	v6 =	vpop (erf);
	(erf) = vrcp.f32 v3;
	v2 =	vsub.f32 $0.0e+00, v2  }
0x3e: {  	v3 =	vld [tilespmem:s6+$0x10];
	v6 =	vadd.f32 $1.000000000e+00, v6;
	(erf) = vpow2.f32 v4;
	v4 =	vadd.f32 v5, v1;
	_ =	sdelay $0x1  }
0x3f: {  	v2 =	vmul.f32 $1.442695020e+00, v2;
	v4 =	vsub.f32 $0.0e+00, v4  }
0x40: {  	v0 =	vbroadcast v0, $0x8;
	v5 =	vld [tilespmem:s6+$0xFFFFFFF0];
	(erf) = vrcp.f32 v6  }
0x41: {  	(erf) = vpow2.f32 v2;
	v6 =	vpop (erf);
	v4 =	vmul.f32 $1.442695020e+00, v4  }
0x42: {  	v3 =	vadd.f32 v3, v1;
	v2 =	vadd.f32 $1.000000000e+00, v6;
	v6 =	vpop (erf)  }
0x43: {  	v6 =	vadd.f32 v6, v0  }
0x44: {  	v7 =	vpop (erf);
	v3 =	vsub.f32 $0.0e+00, v3;
	(erf) = vrcp.f32 v2;
	v2 =	vld [tilespmem:s6+$0xFFFFFFE0]  }
0x45: {  	v5 =	vadd.f32 v5, v1;
	v7 =	vadd.f32 $1.000000000e+00, v7;
	(erf) = vpow2.f32 v4;
	v4 =	vpop (erf)  }
0x46: {  	v3 =	vmul.f32 $1.442695020e+00, v3;
	v4 =	vadd.f32 v4, v0  }
0x47: {  	(xrf2) =	vadd.scan.msk.f32 $0xffff, v6;
	v5 =	vsub.f32 $0.0e+00, v5;
	(erf) = vrcp.f32 v7;
	v6 =	vpop (erf)  }
0x48: {  	(erf) = vpow2.f32 v3;
	v3 =	vadd.f32 $1.000000000e+00, v6;
	(xrf2) =	vadd.scan.msk.f32 $0xffff, v4  }
0x49: {  	s7 =	simm.s32 $0xE0;
	v5 =	vmul.f32 $1.442695020e+00, v5;
	v6 =	vpop (erf);
	v4 =	vld [tilespmem:s6+$0x0];
	v2 =	vadd.f32 v2, v1  }
0x4a: {  	v6 =	vadd.f32 v6, v0;
	v7 =	vpop (erf);
	(erf) = vrcp.f32 v3;
	v3 =	vld [tilespmem:s7+$0x10]  }
0x4b: {  	v2 =	vsub.f32 $0.0e+00, v2;
	(erf) = vpow2.f32 v5;
	v5 =	vadd.f32 $1.000000000e+00, v7;
	_ =	sdelay $0x1  }
0x4c: {  	v2 =	vmul.f32 $1.442695020e+00, v2  }
0x4d: {  	(xrf2) =	vadd.scan.msk.f32 $0xffff, v6;
	v6 =	vpop (erf);
	(erf) = vrcp.f32 v5  }
0x4e: {  	v4 =	vadd.f32 v4, v1;
	v5 =	vpop (erf);
	v8 =	vadd.f32 v3, v1  }
0x4f: {  	v6 =	vadd.f32 v6, v0;
	v9 =	vpop (erf)  }
0x50: {  	v7 =	vld [tilespmem:s7+$0xFFFFFFF0];
	(erf) = vpow2.f32 v2;
	v4 =	vsub.f32 $0.0e+00, v4;
	v2, _, _ =	vpop (xrf2);
	v8 =	vsub.f32 $0.0e+00, v8  }
0x51: {  	v10 =	vadd.f32 $1.000000000e+00, v5;
	v5, _, _ =	vpop (xrf2);
	(xrf2) =	vadd.scan.msk.f32 $0xffff, v6  }
0x52: {  	v11 =	vpop (erf);
	v4 =	vmul.f32 $1.442695020e+00, v4;
	v8 =	vmul.f32 $1.442695020e+00, v8  }
0x53: {  	v9 =	vadd.f32 v9, v0;
	(erf) = vrcp.f32 v10;
	v10 =	vadd.f32 $1.000000000e+00, v11  }
0x54: {  	v12 =	vld [tilespmem:s7+$0xFFFFFFE0];
	v11 =	vpop (erf);
	(erf) = vpow2.f32 v4  }
0x55: {  	s8 =	sadd.f32 s9, s30;
	v7 =	vadd.f32 v7, v1;
	v13 =	vpop (erf);
	(xrf2) =	vadd.scan.msk.f32 $0xffff, v9;
	(erf) = vrcp.f32 v10  }
0x56: {  	v14 =	vadd.f32 v11, v0;
	(erf) = vpow2.f32 v8;
	v8 =	vpop (erf)  }
0x57: {  	s8 =	ssub.f32 $0.0e+00, s8;
	v7 =	vsub.f32 $0.0e+00, v7;
	v4, _, _ =	vpop (xrf2);
	v9 =	vadd.f32 v8, v0;
	v8 =	vld [tilespmem:s7+$0x0]  }
0x58: {  	v6 =	vadd.f32 $1.000000000e+00, v13;
	(xrf2) =	vadd.scan.msk.f32 $0xffff, v14;
	v13 =	vbroadcast v4, $0xF  }
0x59: {  	v3 =	vmov s8;
	v11 =	vadd.f32 v12, v1;
	v10 =	vmul.f32 $1.442695020e+00, v7  }
0x5a: {  	s9 =	simm.s32 $0x120;
	s8 =	simm.s32 $0xC;
	v7 =	vbroadcast v5, $0xF;
	(erf) = vrcp.f32 v6;
	v12 =	vpop (erf);
	v6 =	vadd.f32 v13, v3  }
.LBB2_1:
0x5b: {  	v13 =	vld [tilespmem:s9+$0x10];
	v11 =	vsub.f32 $0.0e+00, v11;
	(erf) = vpow2.f32 v10;
	v10 =	vadd.f32 $1.000000000e+00, v12;
	(xrf2) =	vadd.scan.msk.f32 $0xffff, v9;
	v9, _, _ =	vpop (xrf2);
	s10 =	smov.u32 s6;
	s6 =	smov.u32 s7;
	s7 =	smov.u32 s9  }
0x5c: {  	v8 =	vadd.f32 v8, v1;
	v12 =	vpop (erf);
	v7 =	vadd.f32 v7, v6;
	v14 =	vbroadcast v9, $0xF  }
0x5d: {  	v11 =	vmul.f32 $1.442695020e+00, v11;
	(erf) = vrcp.f32 v10;
	v16 =	vadd.f32 v12, v0;
	v12 =	vmovc v5  }
0x5e: {  	v15 =	vld [tilespmem:s9+$0xFFFFFFF0];
	v5 =	vpop (erf);
	v17 =	vadd.f32 v7, v9;
	v7 =	vadd.f32 v14, v7;
	v14 =	vbroadcast v2, $0xF  }
0x5f: {  	v8 =	vsub.f32 $0.0e+00, v8;
	(erf) = vpow2.f32 v11;
	v18 =	vadd.f32 $1.000000000e+00, v5;
	(xrf2) =	vadd.scan.msk.f32 $0xffff, v16;
	v10, _, _ =	vpop (xrf2)  }
0x60: {  	s8 =	sadd.s32 $0x4, s8;
	v11 =	vadd.f32 v13, v1;
	v13 =	vpop (erf);
	[tilespmem:s4+$0x0] =	vst v17;
	v14 =	vadd.f32 v14, v7  }
0x61: {  	p0 =	slt.u32 s8, $0x3C;
	v17 =	vmul.f32 $1.442695020e+00, v8;
	v9 =	vpop (erf);
	v19 =	vadd.f32 v13, v0;
	(erf) = vrcp.f32 v18  }
0x62: {  	v7 =	vadd.f32 v7, v2;
	v2 =	vmov v10;
	v16 =	vld [tilespmem:s9+$0xFFFFFFE0];
	v11 =	vsub.f32 $0.0e+00, v11;
	v5, _, _ =	vpop (xrf2)  }
0x63: {  	v9 =	vadd.f32 $1.000000000e+00, v9;
	v10 =	vadd.f32 v15, v1;
	(erf) = vpow2.f32 v17;
	v8 =	vpop (erf);
	(xrf2) =	vadd.scan.msk.f32 $0xffff, v19  }
.Ltmp0:
0x64: {  	v6 =	vadd.f32 v6, v12;
	v11 =	vmul.f32 $1.442695020e+00, v11;
	v13 =	vpop (erf);
	v15 =	vadd.f32 v8, v0;
	[tilespmem:s4+$0x10] =	vst v7;
	(pc) =	sbr.rel @p0 .LBB2_1-.Ltmp0, $4  }
0x65: {  	v17 =	vadd.f32 v4, v3;
	v7 =	vsub.f32 $0.0e+00, v10;
	v8 =	vld [tilespmem:s9+$0x0];
	(erf) = vrcp.f32 v9;
	v4, _, _ =	vpop (xrf2)  }
0x66: {  	v13 =	vadd.f32 $1.000000000e+00, v13;
	(erf) = vpow2.f32 v11;
	v3 =	vpop (erf);
	(xrf2) =	vadd.scan.msk.f32 $0xffff, v15;
	v15 =	vbroadcast v4, $0xF  }
0x67: {  	v11 =	vadd.f32 v16, v1;
	v10 =	vmul.f32 $1.442695020e+00, v7;
	v9 =	vadd.f32 v3, v0;
	[tilespmem:s4+$0xFFFFFFF0] =	vst v6;
	v3 =	vmovc v14  }
0x68: {  	s9 =	sadd.s32 $0x40, s9;
	v7 =	vbroadcast v5, $0xF;
	v12 =	vpop (erf);
	(erf) = vrcp.f32 v13;
	v6 =	vadd.f32 v15, v14;
	[tilespmem:s4+$0xFFFFFFE0] =	vst v17;
	s4 =	smov.u32 s5;
	s5 =	smov.u32 s10  }
0x69: {  	v11 =	vsub.f32 $0.0e+00, v11  }
0x6a: {  	v12 =	vadd.f32 $1.000000000e+00, v12;
	v1 =	vadd.f32 v8, v1  }
0x6b: {  	(erf) = vpow2.f32 v10;
	v38 =	vpop (erf);
	v8 =	vmul.f32 $1.442695020e+00, v11  }
0x6c: {  	(erf) = vrcp.f32 v12;
	v39 =	vpop (erf);
	v1 =	vsub.f32 $0.0e+00, v1  }
0x6d: {  	(erf) = vpow2.f32 v8;
	v8 =	vadd.f32 $1.000000000e+00, v39  }
0x6e: {  	v1 =	vmul.f32 $1.442695020e+00, v1;
	_ =	sdelay $0x2  }
0x6f: {  	(erf) = vrcp.f32 v8;
	v8 =	vpop (erf)  }
0x70: {  	(erf) = vpow2.f32 v1;
	v1 =	vpop (erf)  }
0x71: {  	v40 =	vpop (erf)  }
0x72: {  	v41 =	vpop (erf)  }
0x73: {  	v1 =	vadd.f32 $1.000000000e+00, v1;
	v42 =	vpop (erf)  }
0x74: {  	v13 =	vpop (erf)  }
0x75: {  	(xrf2) =	vadd.scan.msk.f32 $0xffff, v9;
	(erf) = vrcp.f32 v1;
	v1 =	vadd.f32 $1.000000000e+00, v13  }
0x76: {  	v12 =	vadd.f32 $1.000000000e+00, v41  }
0x77: {  	v10 =	vadd.f32 v38, v0;
	v8 =	vadd.f32 v8, v0  }
0x78: {  	(erf) = vrcp.f32 v12;
	v44 =	vpop (erf)  }
0x79: {  	(xrf2) =	vadd.scan.msk.f32 $0xffff, v10;
	v43 =	vadd.f32 v40, v0;
	(erf) = vrcp.f32 v1;
	v1 =	vpop (erf)  }
0x7a: {  	(xrf2) =	vadd.scan.msk.f32 $0xffff, v8;
	v1 =	vadd.f32 $1.000000000e+00, v1  }
0x7b: {  	v8, _, _ =	vpop (xrf2);
	(xrf2) =	vadd.scan.msk.f32 $0xffff, v43;
	v9 =	vadd.f32 v42, v0  }
0x7c: {  	v7 =	vadd.f32 v7, v6;
	v45 =	vbroadcast v8, $0xF  }
0x7d: {  	v46, _, _ =	vpop (xrf2);
	(xrf2) =	vadd.scan.msk.f32 $0xffff, v9;
	(erf) = vrcp.f32 v1  }
0x7e: {  	v48 =	vbroadcast v2, $0xF;
	v47 =	vadd.f32 v45, v7;
	v1, _, _ =	vpop (xrf2)  }
0x7f: {  	v11 =	vadd.f32 v44, v0;
	v49, _, _ =	vpop (xrf2)  }
0x80: {  	v10 =	vadd.f32 v48, v47;
	v15 =	vpop (erf);
	v14 =	vbroadcast v49, $0xF  }
0x81: {  	v50 =	vadd.f32 v15, v0;
	(xrf2) =	vadd.scan.msk.f32 $0xffff, v11;
	v51 =	vpop (erf)  }
0x82: {  	v16 =	vbroadcast v1, $0xF;
	v15 =	vadd.f32 v51, v0;
	v17 =	vpop (erf);
	v14 =	vadd.f32 v14, v10  }
0x83: {  	(xrf2) =	vadd.scan.msk.f32 $0xffff, v50;
	v18, _, _ =	vpop (xrf2);
	v52 =	vadd.f32 v17, v0  }
0x84: {  	v53 =	vbroadcast v18, $0xF;
	v19, _, _ =	vpop (xrf2);
	(xrf2) =	vadd.scan.msk.f32 $0xffff, v15;
	v16 =	vadd.f32 v16, v14  }
0x85: {  	v54, _, _ =	vpop (xrf2);
	(xrf2) =	vadd.scan.msk.f32 $0xffff, v52  }
0x86: {  	v56 =	vbroadcast v46, $0xF;
	v20 =	vpop (erf);
	v55 =	vadd.f32 v53, v16  }
0x87: {  	v21, _, _ =	vpop (xrf2);
	v0 =	vadd.f32 v20, v0  }
0x88: {  	v57 =	vbroadcast v21, $0xF;
	v17 =	vadd.f32 v56, v55  }
0x89: {  	(xrf2) =	vadd.scan.msk.f32 $0xffff, v0  }
0x8a: {  	v7 =	vadd.f32 v7, v8;
	v58 =	vbroadcast v54, $0xF;
	v0 =	vadd.f32 v57, v17  }
0x8b: {  	v22, _, _ =	vpop (xrf2)  }
0x8c: {  	v2 =	vadd.f32 v47, v2;
	v59 =	vbroadcast v22, $0xF;
	v8 =	vadd.f32 v58, v0  }
0x8d: {  	v5 =	vadd.f32 v6, v5;
	[tilespmem:s4+$0x0] =	vst v7;
	v6, _, _ =	vpop (xrf2)  }
0x8e: {  	[tilespmem:s4+$0x10] =	vst v2;
	v2 =	vadd.f32 v4, v3;
	v4 =	vbroadcast v19, $0xF;
	v7, _, _ =	vpop (xrf2);
	v3 =	vadd.f32 v59, v8  }
0x8f: {  	[tilespmem:s4+$0xFFFFFFF0] =	vst v5;
	v5 =	vadd.f32 v16, v18;
	v60, _, _ =	vpop (xrf2)  }
0x90: {  	[tilespmem:s4+$0xFFFFFFE0] =	vst v2;
	v2 =	vadd.f32 v55, v46;
	v61 =	vbroadcast v60, $0xF;
	v4 =	vadd.f32 v4, v3  }
0x91: {  	v1 =	vadd.f32 v14, v1;
	[tilespmem:s5+$0x0] =	vst v5  }
0x92: {  	[tilespmem:s5+$0x10] =	vst v2;
	v2 =	vadd.f32 v49, v10;
	v62 =	vbroadcast v7, $0xF;
	v5 =	vadd.f32 v61, v4  }
0x93: {  	[tilespmem:s5+$0xFFFFFFF0] =	vst v1;
	v1 =	vadd.f32 v8, v22;
	v8, _, _ =	vpop (xrf2)  }
0x94: {  	[tilespmem:s5+$0xFFFFFFE0] =	vst v2;
	v2 =	vadd.f32 v3, v19;
	v63 =	vbroadcast v8, $0xF;
	v3 =	vadd.f32 v62, v5  }
0x95: {  	v0 =	vadd.f32 v0, v54;
	[tilespmem:s6+$0x0] =	vst v1  }
0x96: {  	v1 =	vadd.f32 v21, v17;
	[tilespmem:s6+$0x10] =	vst v2;
	v2 =	vadd.f32 v63, v3  }
0x97: {  	[tilespmem:s6+$0xFFFFFFF0] =	vst v0;
	v0 =	vadd.f32 v3, v8  }
0x98: {  	[tilespmem:s6+$0xFFFFFFE0] =	vst v1;
	v1 =	vadd.f32 v2, v6  }
0x99: {  	[tilespmem:s7+$0x0] =	vst v0;
	v0 =	vadd.f32 v5, v7  }
0x9a: {  	[tilespmem:s7+$0x10] =	vst v1;
	v1 =	vadd.f32 v60, v4  }
0x9b: {  	[tilespmem:s7+$0xFFFFFFF0] =	vst v0  }
0x9c: {  	s29 =	simm.s32 $0x3;
	[tilespmem:s7+$0xFFFFFFE0] =	vst v1  }
0x9d: {  	_ =	swait.ge [sflag:s29], $0x400  }
0x9e: {  	[sflag:s29] =	ssyncset.done $0x0  }
0x9f: {  	s30 =	simm.s32 $0x4A0;
	[sflag:s29] =	ssyncadd.s32 $0xFFFFFC00  }
0xa0: {  	v0 =	vld [tilespmem:s30+$0x10];
	_ =	sdelay $0x1  }
0xa1: {  	v2 =	vld [tilespmem:s30+$0xFFFFFFE0]  }
0xa2: {  	v3 =	vld [tilespmem:s30+$0xFFFFFFF0]  }
0xa3: {  	s31 =	simm.s32 $0x4E0;
	v4 =	vld [tilespmem:s30+$0x0]  }
0xa4: {  	v7 =	vld [tilespmem:s31+$0x10]  }
0xa5: {  	v1 =	vld [tilespmem:s31+$0xFFFFFFF0]  }
0xa6: {  	s4 =	simm.s32 $0x0;
	v6 =	vld [tilespmem:s31+$0xFFFFFFE0]  }
0xa7: {  	v8 =	vld.idx.msk [tilespmem:v0+s4+$0x0], $0xffff  }
0xa8: {  	v0 =	vld [tilespmem:s31+$0x0]  }
0xa9: {  	v5 =	vld.idx.msk [tilespmem:v2+s4+$0x0], $0xffff  }
0xaa: {  	v2 =	vld.idx.msk [tilespmem:v3+s4+$0x0], $0xffff  }
0xab: {  	s5 =	simm.s32 $0x8A0;
	v3 =	vld.idx.msk [tilespmem:v4+s4+$0x0], $0xffff  }
0xac: {  	s6 =	simm.s32 $0x4;
	s7 =	simm.s32 $0x520;
	v4 =	vld.idx.msk [tilespmem:v7+s4+$0x0], $0xffff;
	[tilespmem:s5+$0x10] =	vst v8  }
.LBB2_3:
0xad: {  	v7 =	vld [tilespmem:s7+$0x10];
	s6 =	sadd.s32 $0x4, s6  }
0xae: {  	v8 =	vld [tilespmem:s7+$0xFFFFFFF0];
	p0 =	slt.u32 s6, $0x3C;
	[tilespmem:s5+$0xFFFFFFE0] =	vst v5  }
0xaf: {  	v9 =	vld [tilespmem:s7+$0x0];
	[tilespmem:s5+$0xFFFFFFF0] =	vst v2  }
0xb0: {  	v10 =	vld [tilespmem:s7+$0xFFFFFFE0];
	[tilespmem:s5+$0x0] =	vst v3  }
.Ltmp1:
0xb1: {  	s5 =	sadd.s32 $0x40, s5;
	v5 =	vld.idx.msk [tilespmem:v6+s4+$0x0], $0xffff;
	(pc) =	sbr.rel @p0 .LBB2_3-.Ltmp1, $4  }
0xb2: {  	v2 =	vld.idx.msk [tilespmem:v1+s4+$0x0], $0xffff;
	[tilespmem:s5+$0x10] =	vst v4  }
0xb3: {  	v3 =	vld.idx.msk [tilespmem:v0+s4+$0x0], $0xffff;
	v1 =	vmov v8  }
0xb4: {  	v0 =	vmov v9  }
0xb5: {  	s7 =	sadd.s32 $0x40, s7;
	v4 =	vld.idx.msk [tilespmem:v7+s4+$0x0], $0xffff;
	v6 =	vmov v10  }
0xb6: {  	_ =	sdelay $0x3  }
0xb7: {  	v6 =	vld.idx.msk [tilespmem:v6+s4+$0x0], $0xffff  }
0xb8: {  	[tilespmem:s5+$0xFFFFFFE0] =	vst v5;
	v1 =	vld.idx.msk [tilespmem:v1+s4+$0x0], $0xffff  }
0xb9: {  	v0 =	vld.idx.msk [tilespmem:v0+s4+$0x0], $0xffff;
	[tilespmem:s5+$0xFFFFFFF0] =	vst v2  }
0xba: {  	s28 =	sadd.s32 $0x40, s5;
	[tilespmem:s5+$0x0] =	vst v3  }
0xbb: {  	[tilespmem:s28+$0x10] =	vst v4  }
0xbc: {  	[tilespmem:s28+$0xFFFFFFE0] =	vst v6  }
0xbd: {  	s2 =	sadd.s32 s2, s3;
	[tilespmem:s28+$0xFFFFFFF0] =	vst v1  }
0xbe: {  	s29 =	simm.s32 $0x0;
	s30 =	simm.s32 $0x880;
	s31 =	simm.s32 $0x4;
	[tilespmem:s28+$0x0] =	vst v0  }
0xbf: {  	[hbm4b:s2+s29] =	stream.linear.scatter [tilespmem:s30], [sflag:$0x4], $0x400, $0x38;
	[tilespmem:$0xC80] =	vst v63  }
0xc0: {  	_ =	swait.ge [sflag:s31], $0x400  }
0xc1: {  	[sflag:s31] =	ssyncset.done $0x0  }
0xc2: {  	[sflag:s31] =	ssyncadd.s32 $0xFFFFFC00  }
0xc3: {  	_ =	sfence.sel $0x180000  }
0xc4: {  	[bflag:$0x0] =	sbarrier.arrive $0xFFFF  }
0xc5: {  	p0 =	sne.s32 s1, $0x0;
	_ =	strace $0x90000047  }
0xc6: {  	s0 =	sadd.s32 @!p0 $0x100000, s0;
	[bflag:$0x2] =	sbarrier.arrive $0xFFFF  }
0xc7: {  	[sflag:s0] =	ssyncadd.tile.s32 @!p0 $0x1;
	_ =	shalt  }
.Lfunc_end2:
_tile_overlayer_lowered:
.L_overlay_start_2:
0xc8: {  	(tag) =	ssettag $0x2  }
0xc9: {  	s0 =	rddreg [dreg:$0x0];
	s2 =	stileid.u32  }
0xca: {  	s1 =	rddreg [dreg:$0x1];
	p0 =	sne.s32 s2, $0x0  }
0xcb: {  	s3 =	rddreg [dreg:$0x2];
	[bflag:$0x3] =	sbarrier.arrive $0xFFFF;
	s2 =	simm.s32 @!p0 $0x1C04  }
0xcc: {  	[timem:s3], [sflag:s2] =	dma.local @!p0 [hbm:s0], s1  }
0xcd: {  	s0 =	simm.s32 @!p0 $0x4  }
0xce: {  	_ =	swait.ge @!p0 [sflag:s0], s1  }
0xcf: {  	s1 =	ssub.s32 @!p0 $0x0, s1;
	[sflag:s0] =	ssyncset.done @!p0 $0x0  }
0xd0: {  	[sflag:s0] =	ssyncadd.s32 @!p0 s1  }
0xd1: {  	[bflag:$0x3] =	sbarrier.arrive $0xFFFF  }
0xd2: {  	_ =	shalt  }

</sc_bundles>
